<compile_context>
chip_gen: v7x
topology: tpu7x:2x2x1
jax: 0.10.2.dev20260603
libtpu: 0.0.44.dev20260713+nightly
codegen_flags: <defaults>
</compile_context>

<pallas_src>
import jax
import jax.numpy as jnp
from jax import lax
from jax.experimental import pallas as pl
from jax.experimental.pallas import tpu as pltpu
from jax.experimental.pallas import tpu_sc as plsc

VOCAB = 1000
PAD_VOCAB = 1024
EMBED = 64
N_POS = 16384
N_NEG = 16384
K_NEG = 10

NUM_CORES = 1
NUM_SUBCORES = 16
NW = NUM_CORES * NUM_SUBCORES
LANES = 16

POS_PER_W = N_POS // NW
NEG_PER_W = N_NEG // NW
ROWS_PER_W = PAD_VOCAB // NW
BLK = ROWS_PER_W * EMBED


def _sc_body(tgt_hbm, neg_hbm, pout_hbm, rout_hbm,
             pout_v, rout_v):
    del neg_hbm
    wid = lax.axis_index("s") * NUM_CORES + lax.axis_index("c")

    @pl.when(wid == 0)
    def _():
        pout_v[pl.ds(0, LANES)] = jnp.zeros((LANES,), jnp.float32)
        rout_v[pl.ds(0, LANES)] = jnp.zeros((LANES,), jnp.float32)
        pltpu.sync_copy(pout_v.at[pl.ds(0, LANES)], pout_hbm.at[pl.ds(0, LANES)])
        pltpu.sync_copy(rout_v.at[pl.ds(0, LANES)], rout_hbm.at[pl.ds(0, LANES)])


_sc_gather = pl.kernel(
    _sc_body,
    out_type=(
        jax.ShapeDtypeStruct((LANES,), jnp.float32),
        jax.ShapeDtypeStruct((LANES,), jnp.float32),
    ),
    mesh=plsc.VectorSubcoreMesh(core_axis_name="c", subcore_axis_name="s",
                                num_cores=NUM_CORES),
    compiler_params=pltpu.CompilerParams(needs_layout_passes=False),
    scratch_types=[
        pltpu.VMEM((POS_PER_W,), jnp.float32),
        pltpu.VMEM((NEG_PER_W,), jnp.float32),
    ],
)


def _loss_body(p_ref, r_ref, o_ref):
    pos = jnp.sum(jnp.log(jax.nn.sigmoid(p_ref[...])))
    neg = jnp.sum(jnp.log(jax.nn.sigmoid(-r_ref[...])))
    o_ref[0, 0] = -(pos + neg) / jnp.float32(N_POS + N_NEG)


_loss = pl.pallas_call(
    _loss_body,
    out_shape=jax.ShapeDtypeStruct((1, 1), jnp.float32),
    out_specs=pl.BlockSpec(memory_space=pltpu.SMEM),
)


def kernel(target, pos_examples, neg_examples, target_W, context_W):
    tgt = jnp.asarray(target, jnp.int32).reshape((1,))
    pos_i = jnp.asarray(pos_examples, jnp.int32)
    neg_i = jnp.asarray(neg_examples, jnp.int32).reshape((-1,))
    tw_flat = target_W.reshape((-1,))
    cw_flat = context_W.reshape((-1,))
    pvals, rsums = _sc_gather(tgt, neg_examples)
    return pvals[0] + rsums[0]

# --- scband reference (transcript-rebuilt; emitter-appended) ---
"""Pipeline reference for scband-skipgram-57174604644887 (READ-ONLY COPY).

The authoritative reference and input builder live on the scoring server;
editing this copy changes nothing except your own understanding.
"""

import jax, jax.numpy as jnp
import numpy as np

VOCAB_SIZE = 1000
EMBED_DIM = 64
N_POS = 16384
N_NEG = 16384
K_NEG = 10


def setup_inputs(seed: int = 0) -> dict:
    key = jax.random.key(seed)
    k1, k2, k3, k4 = jax.random.split(key, 4)
    target = 123  # x[0]: scalar target word index
    pos_examples = jax.random.randint(k1, (N_POS,), 0, VOCAB_SIZE)
    neg_examples = jax.random.randint(k2, (N_NEG, K_NEG), 0, VOCAB_SIZE)
    # learned parameters: nn.Embedding weights, init uniform(-0.1, 0.1)
    target_W = jax.random.uniform(k3, (VOCAB_SIZE, EMBED_DIM), minval=-0.1, maxval=0.1, dtype=jnp.float32)
    context_W = jax.random.uniform(k4, (VOCAB_SIZE, EMBED_DIM), minval=-0.1, maxval=0.1, dtype=jnp.float32)
    return {
        'target': target,
        'pos_examples': pos_examples,
        'neg_examples': neg_examples,
        'target_W': target_W,
        'context_W': context_W,
    }


def reference(target, pos_examples, neg_examples, target_W, context_W):
    n_pos = pos_examples.shape[0]
    n_neg = neg_examples.shape[0]
    batch_size = n_pos + n_neg

    # positive part: pos_t = [target] * len(pos_examples)
    pos_t_idx = jnp.full((n_pos,), target, dtype=pos_examples.dtype)
    pos_t_E = jnp.take(target_W, pos_t_idx, axis=0)          # [n_pos, D] gather
    pos_E = jnp.take(context_W, pos_examples, axis=0)        # [n_pos, D] gather
    pos_score = jnp.sum(pos_t_E * pos_E, axis=1)             # [n_pos]
    pos_score = jnp.squeeze(jnp.log(jax.nn.sigmoid(pos_score)))

    # negative part: neg_t = [target] * len(neg_examples)
    neg_t_idx = jnp.full((n_neg,), target, dtype=neg_examples.dtype)
    neg_t_E = jnp.take(target_W, neg_t_idx, axis=0)          # [n_neg, D] gather
    neg_E = jnp.take(context_W, neg_examples, axis=0)        # [n_neg, K, D] gather
    # torch.bmm(neg_E, neg_t_E.unsqueeze(2)).squeeze() -> [n_neg, K]
    bmm = jnp.squeeze(jnp.matmul(neg_E, neg_t_E[:, :, None]), axis=-1)
    neg_score = jnp.sum(bmm, axis=1)                         # [n_neg]
    neg_score = jnp.squeeze(jnp.log(jax.nn.sigmoid(-neg_score)))

    return -(jnp.sum(pos_score) + jnp.sum(neg_score)) / batch_size


if False:  # reference __main__ guard neutralized (emitter)
    out = reference(**setup_inputs())
    print(out.shape, out.dtype, out)

if __name__ == "__main__":
    import jax
    _d = setup_inputs()
    print(jax.jit(kernel)(*tuple(_d.values())))

</pallas_src>

<mosaic_0001>
#map = affine_map<(d0, d1) -> (0)>
#map1 = affine_map<(d0, d1) -> (0, 0)>
module attributes {stable_mosaic.version = 14 : i64} {
  func.func @_sc_body(%arg0: i32, %arg1: i32, %arg2: memref<1xi32, #tpu.memory_space<hbm>>, %arg3: memref<16384x10xi32, #tpu.memory_space<hbm>>, %arg4: memref<16xf32, #tpu.memory_space<hbm>>, %arg5: memref<16xf32, #tpu.memory_space<hbm>>, %arg6: memref<1024xf32, #tpu.memory_space<vmem>>, %arg7: memref<1024xf32, #tpu.memory_space<vmem>>) attributes {dimension_semantics = [#tpu.dimension_semantics<core_parallel>, #tpu.dimension_semantics<subcore_parallel>], iteration_bounds = array<i64: 1, 16>, scalar_prefetch = 0 : i64, scratch_operands = 2 : i64, tpu.core_type = #tpu.core_type<sc_vector_subcore>, window_params = [{transform_indices = #map}, {transform_indices = #map1}, {transform_indices = #map}, {transform_indices = #map}]} {
    %mul3A = arith.constant 1 : i32
    %mul3A_0 = arith.muli %arg1, %mul3A : i32
    %add3A = arith.addi %mul3A_0, %arg0 : i32
    %eq3A = arith.constant 0 : i32
    %eq3A_1 = arith.cmpi eq, %add3A, %eq3A : i32
    %convert_element_type3A = arith.extui %eq3A_1 : i1 to i32
    %cond3A = arith.constant 0 : i32
    %cond3A_2 = arith.cmpi ne, %convert_element_type3A, %cond3A : i32
    scf.if %cond3A_2 {
      %broadcast_in_dim3A = arith.constant 0.000000e+00 : f32
      %broadcast_in_dim3A_3 = vector.broadcast %broadcast_in_dim3A : f32 to vector<16xf32>
      %swap3A = arith.constant 0 : index
      %swap3A_4 = tpu.vector_load %arg6[%swap3A] {strides = array<i32>} : memref<1024xf32, #tpu.memory_space<vmem>>, vector<16xf32>,
      tpu.vector_store %arg6[%swap3A], %broadcast_in_dim3A_3 {strides = array<i32>} : memref<1024xf32, #tpu.memory_space<vmem>>, vector<16xf32>,
      %broadcast_in_dim3A_5 = arith.constant 0.000000e+00 : f32
      %broadcast_in_dim3A_6 = vector.broadcast %broadcast_in_dim3A_5 : f32 to vector<16xf32>
      %swap3A_7 = arith.constant 0 : index
      %swap3A_8 = tpu.vector_load %arg7[%swap3A_7] {strides = array<i32>} : memref<1024xf32, #tpu.memory_space<vmem>>, vector<16xf32>,
      tpu.vector_store %arg7[%swap3A_7], %broadcast_in_dim3A_6 {strides = array<i32>} : memref<1024xf32, #tpu.memory_space<vmem>>, vector<16xf32>,
      "tpu.region"() ({
        %run_scoped3A = tpu.sem_alloc : memref<!tpu.dma_semaphore, #tpu.memory_space<semaphore_mem>>
        %dma_start3A = arith.constant 0 : i32
        %dma_start3A_9 = tpu.memref_slice %arg6[%dma_start3A] : memref<1024xf32, #tpu.memory_space<vmem>> -> memref<16xf32, #tpu.memory_space<vmem>>
        %dma_start3A_10 = arith.constant 0 : i32
        %dma_start3A_11 = tpu.memref_slice %arg4[%dma_start3A_10] : memref<16xf32, #tpu.memory_space<hbm>> -> memref<16xf32, #tpu.memory_space<hbm>>
        %dma_start3A_12 = arith.constant 0 : i32
        %dma_start3A_13 = tpu.memref_slice %arg4[%dma_start3A_12] : memref<16xf32, #tpu.memory_space<hbm>> -> memref<16xf32, #tpu.memory_space<hbm>>
        %dma_start3A_14 = arith.constant 0 : i32
        %dma_start3A_15 = tpu.memref_slice %arg6[%dma_start3A_14] : memref<1024xf32, #tpu.memory_space<vmem>> -> memref<16xf32, #tpu.memory_space<vmem>>
        tpu.enqueue_dma source(%dma_start3A_15 : memref<16xf32, #tpu.memory_space<vmem>>) target(%dma_start3A_13 : memref<16xf32, #tpu.memory_space<hbm>>) target_semaphore(%run_scoped3A : memref<!tpu.dma_semaphore, #tpu.memory_space<semaphore_mem>>)
        %dma_wait3A = arith.constant 0 : i32
        %dma_wait3A_16 = tpu.memref_slice %arg6[%dma_wait3A] : memref<1024xf32, #tpu.memory_space<vmem>> -> memref<16xf32, #tpu.memory_space<vmem>>
        %dma_wait3A_17 = arith.constant 0 : i32
        %dma_wait3A_18 = tpu.memref_slice %arg4[%dma_wait3A_17] : memref<16xf32, #tpu.memory_space<hbm>> -> memref<16xf32, #tpu.memory_space<hbm>>
        %dma_wait3A_19 = arith.constant 0 : i32
        %dma_wait3A_20 = tpu.memref_slice %arg4[%dma_wait3A_19] : memref<16xf32, #tpu.memory_space<hbm>> -> memref<16xf32, #tpu.memory_space<hbm>>
        %dma_wait3A_21 = arith.constant 0 : i32
        %dma_wait3A_22 = tpu.memref_slice %arg6[%dma_wait3A_21] : memref<1024xf32, #tpu.memory_space<vmem>> -> memref<16xf32, #tpu.memory_space<vmem>>
        tpu.wait_dma2 semaphore(%run_scoped3A : memref<!tpu.dma_semaphore, #tpu.memory_space<semaphore_mem>>) src(%dma_wait3A_22 : memref<16xf32, #tpu.memory_space<vmem>>) dst(%dma_wait3A_20 : memref<16xf32, #tpu.memory_space<hbm>>)
        tpu.yield
      }) : () -> ()
      "tpu.region"() ({
        %run_scoped3A = tpu.sem_alloc : memref<!tpu.dma_semaphore, #tpu.memory_space<semaphore_mem>>
        %dma_start3A = arith.constant 0 : i32
        %dma_start3A_9 = tpu.memref_slice %arg7[%dma_start3A] : memref<1024xf32, #tpu.memory_space<vmem>> -> memref<16xf32, #tpu.memory_space<vmem>>
        %dma_start3A_10 = arith.constant 0 : i32
        %dma_start3A_11 = tpu.memref_slice %arg5[%dma_start3A_10] : memref<16xf32, #tpu.memory_space<hbm>> -> memref<16xf32, #tpu.memory_space<hbm>>
        %dma_start3A_12 = arith.constant 0 : i32
        %dma_start3A_13 = tpu.memref_slice %arg5[%dma_start3A_12] : memref<16xf32, #tpu.memory_space<hbm>> -> memref<16xf32, #tpu.memory_space<hbm>>
        %dma_start3A_14 = arith.constant 0 : i32
        %dma_start3A_15 = tpu.memref_slice %arg7[%dma_start3A_14] : memref<1024xf32, #tpu.memory_space<vmem>> -> memref<16xf32, #tpu.memory_space<vmem>>
        tpu.enqueue_dma source(%dma_start3A_15 : memref<16xf32, #tpu.memory_space<vmem>>) target(%dma_start3A_13 : memref<16xf32, #tpu.memory_space<hbm>>) target_semaphore(%run_scoped3A : memref<!tpu.dma_semaphore, #tpu.memory_space<semaphore_mem>>)
        %dma_wait3A = arith.constant 0 : i32
        %dma_wait3A_16 = tpu.memref_slice %arg7[%dma_wait3A] : memref<1024xf32, #tpu.memory_space<vmem>> -> memref<16xf32, #tpu.memory_space<vmem>>
        %dma_wait3A_17 = arith.constant 0 : i32
        %dma_wait3A_18 = tpu.memref_slice %arg5[%dma_wait3A_17] : memref<16xf32, #tpu.memory_space<hbm>> -> memref<16xf32, #tpu.memory_space<hbm>>
        %dma_wait3A_19 = arith.constant 0 : i32
        %dma_wait3A_20 = tpu.memref_slice %arg5[%dma_wait3A_19] : memref<16xf32, #tpu.memory_space<hbm>> -> memref<16xf32, #tpu.memory_space<hbm>>
        %dma_wait3A_21 = arith.constant 0 : i32
        %dma_wait3A_22 = tpu.memref_slice %arg7[%dma_wait3A_21] : memref<1024xf32, #tpu.memory_space<vmem>> -> memref<16xf32, #tpu.memory_space<vmem>>
        tpu.wait_dma2 semaphore(%run_scoped3A : memref<!tpu.dma_semaphore, #tpu.memory_space<semaphore_mem>>) src(%dma_wait3A_22 : memref<16xf32, #tpu.memory_space<vmem>>) dst(%dma_wait3A_20 : memref<16xf32, #tpu.memory_space<hbm>>)
        tpu.yield
      }) : () -> ()
    } else {
    }
    return
  }
}

</mosaic_0001>

<sc_bundles>
// kernel: kernel.3.cloned.1.call-start
scs
__scs_entry_jumppad:
0x0: {  	(pc) =	sbr.rel $0x88, $3  }
0x1: {  	(tag) =	ssettag $0x0;
	lr =	simm.s32 $0x1  }
0x2: {  	[smem:$0x3F9F] =	sst lr;
	_ =	strace $0xD0000000  }
0x3: {  	_ = 	snop  }
0x4: {  	_ = 	snop  }
0x5: {  	_ = 	snop  }
0x6: {  	_ = 	snop  }
0x7: {  	_ = 	snop  }
__scs_overlays_trampoline_lowered:
0x8: {  	[smem:$0x3FAE] =	sst s0  }
0x9: {  	[smem:$0x3FAF] =	sst s1  }
0xa: {  	[smem:$0x3FB0] =	sst s2  }
0xb: {  	[smem:$0x3FB1] =	sst s3  }
0xc: {  	[smem:$0x3FB2] =	sst s4  }
0xd: {  	[smem:$0x3FB3] =	sst s5  }
0xe: {  	[smem:$0x3FB4] =	sst s6  }
0xf: {  	[smem:$0x3FB5] =	sst s7  }
0x10: {  	[smem:$0x3FB6] =	sst s8  }
0x11: {  	[smem:$0x3FB7] =	sst s9;
	s0 =	simm.s32 @!p0 $0x0  }
0x12: {  	s1 =	sld [smem:$0x3F9D];
	s0 =	simm.s32 @p0 $0x1  }
0x13: {  	[smem:$0x3FB8] =	sst s0;
	s0 =	simm.s32 @!p1 $0x0  }
0x14: {  	s2 =	sld [smem:$0x3F9C];
	s0 =	simm.s32 @p1 $0x1  }
0x15: {  	[smem:$0x3FB9] =	sst s0;
	s0 =	simm.s32 @!p2 $0x0  }
0x16: {  	s3 =	sld [smem:$0x3FDB];
	s0 =	simm.s32 @p2 $0x1  }
0x17: {  	s4 =	simm.s32 $0x1BF5;
	[smem:$0x3FBB] =	sst s0  }
0x18: {  	s0 =	sld [smem:$0x3F9E];
	_ =	swait.ge [sflag:s4], $0x0  }
0x19: {  	s7 =	sld [smem:$0x3F9F]  }
0x1a: {  	s8 =	sadd.s32 $0xFFFFE003, lr  }
0x1b: {  	s9 =	sadd.s32 $0xFFFFFEF7, lr;
	s5 =	simm.s32 $0xFFFFFFFF;
	p2 =	slt.u32 s8, $0xFFFFF086  }
0x1c: {  	p1 =	slt.u32 s9, $0xF7A;
	s5 =	simm.s32 @!p2 $0x0  }
0x1d: {  	s5 =	simm.s32 @p1 $0x1;
	p0 =	seq.s32 s7, s2  }
0x1e: {  	s7 =	smul.u32 @!p0 $0xF7A, s2;
	p2 =	seq.s32 @!p0 s5, $0x0  }
0x1f: {  	s9 =	smul.u32 $0xF7A, s1;
	s8 =	simm.s32 @!p0 $0x1BF5;
	p2 =	por !p2, p0  }
0x20: {  	[sflag:s8] =	ssyncset.s32 @!p0 $0xFFFFF086;
	s6 =	sadd.s32 @!p0 s3, s7;
	s7 =	simm.s32 @!p0 $0x108  }
0x21: {  	s3 =	sadd.s32 s3, s9;
	s6 =	sadd.s32 @!p0 $0x88, s6;
	s7 =	simm.s32 @p2 $0x1082  }
0x22: {  	[simem:s7], [sflag:s8] =	dma.local @!p0 [hbm:s6], $0xF7A  }
0x23: {  	s9 =	sor.u32 $0xD0000000, s2;
	s6 =	simm.s32 $0x108;
	_ =	swait.ge @!p0 [sflag:s8], $0x0  }
0x24: {  	s3 =	sadd.s32 $0x88, s3;
	s6 =	simm.s32 @!p1 $0x1082;
	[sflag:s4] =	ssyncset.s32 $0xFFFFF086  }
0x25: {  	[simem:s6], [sflag:s4] =	dma.local [hbm:s3], $0xF7A  }
0x26: {  	[smem:$0x3F9F] =	sst s1;
	(tag) =	ssettag s2;
	_ =	strace s9  }
0x27: {  	s1 =	sld [smem:$0x3FAF]  }
0x28: {  	s2 =	sld [smem:$0x3FB0]  }
0x29: {  	s4 =	sld [smem:$0x3FB2]  }
0x2a: {  	p0 =	seq.s32 s5, $0x0;
	s5 =	sld [smem:$0x3FB3]  }
0x2b: {  	s6 =	sld [smem:$0x3FB4]  }
0x2c: {  	s7 =	sld [smem:$0x3FB5]  }
0x2d: {  	s3 =	simm.s32 $0x108;
	s8 =	sld [smem:$0x3FB6]  }
0x2e: {  	s3 =	simm.s32 @!p0 $0x1082;
	s9 =	sld [smem:$0x3FB7]  }
0x2f: {  	lr =	sadd.s32 s0, s3;
	s0 =	sld [smem:$0x3FAE]  }
0x30: {  	s3 =	sld [smem:$0x3FB1]  }
0x31: {  	[smem:$0x3FBA] =	sst s10  }
0x32: {  	s10 =	sld [smem:$0x3FB8];
	_ =	sdelay $0x3  }
0x33: {  	p0 =	seq.s32 s10, $0x1;
	s10 =	sld [smem:$0x3FBA];
	_ =	sdelay $0x3  }
0x34: {  	[smem:$0x3FBA] =	sst s10  }
0x35: {  	s10 =	sld [smem:$0x3FB9];
	_ =	sdelay $0x3  }
0x36: {  	p1 =	seq.s32 s10, $0x1;
	s10 =	sld [smem:$0x3FBA];
	_ =	sdelay $0x3  }
0x37: {  	[smem:$0x3FBA] =	sst s10  }
0x38: {  	s10 =	sld [smem:$0x3FBB]  }
0x39: {  	_ = 	snop;
	(pc) =	sbr.ind lr, $3  }
0x3a: {  	_ = 	snop  }
0x3b: {  	_ = 	snop  }
0x3c: {  	p2 =	seq.s32 s10, $0x1;
	s10 =	sld [smem:$0x3FBA]  }
0x3d: {  	_ =	shalt  }
0x3e: {  	_ =	shalt  }
0x3f: {  	_ =	shalt  }
0x40: {  	_ =	shalt  }
0x41: {  	_ =	shalt  }
0x42: {  	_ =	shalt  }
0x43: {  	_ =	shalt  }
0x44: {  	_ =	shalt  }
0x45: {  	_ =	shalt  }
0x46: {  	_ =	shalt  }
0x47: {  	_ =	shalt  }
0x48: {  	_ =	shalt  }
0x49: {  	_ =	shalt  }
0x4a: {  	_ =	shalt  }
0x4b: {  	_ =	shalt  }
0x4c: {  	_ =	shalt  }
0x4d: {  	_ =	shalt  }
0x4e: {  	_ =	shalt  }
0x4f: {  	_ =	shalt  }
0x50: {  	_ =	shalt  }
0x51: {  	_ =	shalt  }
0x52: {  	_ =	shalt  }
0x53: {  	_ =	shalt  }
0x54: {  	_ =	shalt  }
0x55: {  	_ =	shalt  }
0x56: {  	_ =	shalt  }
0x57: {  	_ =	shalt  }
0x58: {  	_ =	shalt  }
0x59: {  	_ =	shalt  }
0x5a: {  	_ =	shalt  }
0x5b: {  	_ =	shalt  }
0x5c: {  	_ =	shalt  }
0x5d: {  	_ =	shalt  }
0x5e: {  	_ =	shalt  }
0x5f: {  	_ =	shalt  }
0x60: {  	_ =	shalt  }
0x61: {  	_ =	shalt  }
0x62: {  	_ =	shalt  }
0x63: {  	_ =	shalt  }
0x64: {  	_ =	shalt  }
0x65: {  	_ =	shalt  }
0x66: {  	_ =	shalt  }
0x67: {  	_ =	shalt  }
0x68: {  	_ =	shalt  }
0x69: {  	_ =	shalt  }
0x6a: {  	_ =	shalt  }
0x6b: {  	_ =	shalt  }
0x6c: {  	_ =	shalt  }
0x6d: {  	_ =	shalt  }
0x6e: {  	_ =	shalt  }
0x6f: {  	_ =	shalt  }
0x70: {  	_ =	shalt  }
0x71: {  	_ =	shalt  }
0x72: {  	_ =	shalt  }
0x73: {  	_ =	shalt  }
0x74: {  	_ =	shalt  }
0x75: {  	_ =	shalt  }
0x76: {  	_ =	shalt  }
0x77: {  	_ =	shalt  }
0x78: {  	_ =	shalt  }
0x79: {  	_ =	shalt  }
0x7a: {  	_ =	shalt  }
0x7b: {  	_ =	shalt  }
0x7c: {  	_ =	shalt  }
0x7d: {  	_ =	shalt  }
0x7e: {  	_ =	shalt  }
0x7f: {  	_ =	shalt  }
0x80: {  	_ =	shalt  }
0x81: {  	_ =	shalt  }
0x82: {  	_ =	shalt  }
0x83: {  	_ =	shalt  }
0x84: {  	_ =	shalt  }
0x85: {  	_ =	shalt  }
0x86: {  	_ =	shalt  }
0x87: {  	_ =	shalt  }
.Lfunc_end0:
.L_simem_size_0:
called_computation_lowered:
.L_overlay_start_0:
0x88: {  	s0 =	sld [smem:$0x3FD9]  }
0x89: {  	s1 =	sld [smem:$0x3FFE];
	_ =	sdelay $0x3  }
0x8a: {  	s0 =	sadd.s32 s1, s0  }
0x8b: {  	[smem:$0x3FC6] =	sst s0  }
0x8c: {  	_ = 	snop  }
0x8d: {  	s0 =	sld [smem:$0x3FD0];
	(tm) =	ssettm $0x1  }
0x8e: {  	s16 =	sld [smem:$0x3FFB];
	_ =	sdelay $0x3  }
0x8f: {  	_ =	strace s16  }
0x90: {  	s1 =	sld [smem:$0x3FFC];
	_ =	sdelay $0x3  }
0x91: {  	_ =	strace s1  }
0x92: {  	s1 =	sld [smem:$0x3FFD];
	_ =	sdelay $0x3  }
0x93: {  	_ =	strace s1  }
0x94: {  	_ =	strace $0x8FFFFFFF  }
0x95: {  	s17 =	sld [smem:$0x3FDB];
	_ =	sdelay $0x1  }
0x96: {  	s2 =	simm.s32 $_scs_section_size  }
0x97: {  	s3 =	simm.s32 $_size__tile_overlayer_lowered;
	s4 =	simm.s32 $_tile_overlayer_lowered  }
0x98: {  	s20 =	simm.s32 $0x1BFF;
	s19 =	sshll.u32 s4, $0x1;
	s1 =	sadd.s32 s2, s17  }
0x99: {  	s5 =	simm.s32 $0x0;
	s18 =	sshll.u32 s3, $0x1;
	s3 =	sadd.s32 s19, s1  }
0x9a: {  	[timem:s5], [sflag:s20] =	dma.local [hbm:s3], s18  }
0x9b: {  	_ =	swait.ge [sflag:s20], s18  }
0x9c: {  	s2 =	ssub.s32 $0x0, s18;
	[sflag:s20] =	ssyncset.done $0x0  }
0x9d: {  	[sflag:s20] =	ssyncadd.s32 s2;
	_ =	sdelay $0x1  }
0x9e: {  	s21 =	simm.s32 $0x1B8B  }
0x9f: {  	_ =	swait.ge [sflag:s21], $0x1  }
0xa0: {  	[sflag:s21] =	ssyncset.done $0x0  }
0xa1: {  	s23 =	simm.s32 $0x1B8E;
	s22 =	sld [smem:$0x3FFE];
	[sflag:s21] =	ssyncadd.s32 $0xFFFFFFFF  }
0xa2: {  	s24 =	simm.s32 $execute0_lowered;
	[smem:$0x3FD2] =	sst s23  }
0xa3: {  	s3 =	sshll.u32 s24, $0x1;
	_ =	strace $0x80000046;
	[dreg:$0x1] =	wrdreg $0xFFFFFFFF  }
0xa4: {  	s25 =	simm.s32 $_size_execute0_lowered;
	s1 =	sadd.s32 s1, s3;
	[dreg:$0x0] =	wrdreg $0x0  }
0xa5: {  	s3 =	sshll.u32 s25, $0x1;
	[dreg:$0x2] =	wrdreg s1  }
0xa6: {  	[dreg:$0x3] =	wrdreg s3  }
0xa7: {  	[dreg:$0x4] =	wrdreg $0xC0  }
0xa8: {  	_ =	task [dreg:s5], $0x5FFFF  }
0xa9: {  	[dreg:$0x1] =	wrdreg $0xFFFFFFFF  }
0xaa: {  	[dreg:$0x0] =	wrdreg $0x60  }
0xab: {  	[dreg:$0x2] =	wrdreg s0  }
0xac: {  	[dreg:$0x3] =	wrdreg s22  }
0xad: {  	[dreg:$0x4] =	wrdreg $0x9  }
0xae: {  	_ =	task.clear_ibuf [dreg:s5], $0x5FFFF;
	_ =	strace $0x90000046  }
0xaf: {  	s26 =	simm.s32 $0x9;
	_ =	strace $0x80000048  }
0xb0: {  	_ =	swait.ge [sflag:s26], $0x1  }
0xb1: {  	[sflag:s26] =	ssyncadd.s32 $0xFFFFFFFF  }
0xb2: {  	_ =	strace $0x90000048  }
0xb3: {  	_ =	sfence  }
0xb4: {  	s28 =	sld [smem:$0x0];
	_ =	sdelay $0x1  }
0xb5: {  	s29 =	srdreg.scid  }
0xb6: {  	s30 =	sshll.u32 s29, $0xD;
	s31 =	sshrl.u32 s29, $0x2  }
0xb7: {  	s2 =	sand.u32 $0x4000, s30;
	s1 =	sand.u32 $0x1, s29;
	s0 =	sadd.s32 s31, s28  }
0xb8: {  	s1 =	sor.u32 s2, s1;
	s0 =	sshll.u32 s0, $0x11  }
0xb9: {  	s0 =	sor.u32 s0, s1  }
0xba: {  	s0 =	sadd.s32 $0x8F2B, s0  }
0xbb: {  	[sflag:s0] =	ssyncadd.remote.s32 $0x1  }
0xbc: {  	_ =	sfence.sel $0xFFFF  }
0xbd: {  	[dreg:$0x0] =	wrdreg $0xFFFFFFFF;
	(pc) =	sbr.abs _section_cstart, $3  }
0xbe: {  	[dreg:$0x1] =	wrdreg $0xFFFFFFFF  }
0xbf: {  	_ =	task.clear_ibuf [dreg:s5], $0x2FFFF;
	_ =	strace $0x9FFFFFFF  }
0xc0: {  	(tm) =	ssettm $0x7FFFFFFF  }
0xc1: {  	_ =	shalt  }
tec
execute0_lowered:
.L_overlay_start_1:
0x0: {  	(tag) =	ssettag $0x1  }
0x1: {  	s0 =	rddreg [dreg:$0x0]  }
0x2: {  	s1 =	rddreg [dreg:$0x1];
	s3 =	stileid.u32  }
0x3: {  	s2 =	rddreg [dreg:$0x2];
	_ =	strace $0x80000047;
	p0 =	sne.s32 s3, $0x0  }
0x4: {  	_ =	sfence.sel @p0 $0x180000  }
0x5: {  	[bflag:$0x0] =	sbarrier.arrive @p0 $0xFFFF  }
0x6: {  	_ =	strace @p0 $0x90000047  }
0x7: {  	v0 =	vimm.f32 @!p0 $0.0e+00;
	[bflag:$0x2] =	sbarrier.arrive @p0 $0xFFFF  }
0x8: {  	[tilespmem:$0x0] =	vst @!p0 v0  }
0x9: {  	s3 =	simm.s32 @!p0 $0x0;
	[tilespmem:$0x400] =	vst @!p0 v0  }
0xa: {  	[hbm4b:s0+s3] =	stream.linear.scatter @!p0 [tilespmem:s3], [sflag:$0x1], $0x10, $0x38;
	[tilespmem:$0x800] =	vst v63  }
0xb: {  	s0 =	simm.s32 @!p0 $0x1  }
0xc: {  	_ =	swait.ge @!p0 [sflag:s0], $0x10  }
0xd: {  	[sflag:s0] =	ssyncset.done @!p0 $0x0  }
0xe: {  	s1 =	sadd.s32 $0x40800, s1;
	s4 =	simm.s32 @!p0 $0x400;
	[sflag:s0] =	ssyncadd.s32 @!p0 $0xFFFFFFF0  }
0xf: {  	[hbm4b:s1+s3] =	stream.linear.scatter @!p0 [tilespmem:s4], [sflag:$0x1], $0x10, $0x38;
	[tilespmem:$0x800] =	vst v63  }
0x10: {  	_ =	swait.ge @!p0 [sflag:s0], $0x10  }
0x11: {  	[sflag:s0] =	ssyncset.done @!p0 $0x0  }
0x12: {  	[sflag:s0] =	ssyncadd.s32 @!p0 $0xFFFFFFF0  }
0x13: {  	_ =	sfence.sel @!p0 $0x180000  }
0x14: {  	[bflag:$0x0] =	sbarrier.arrive @!p0 $0xFFFF  }
0x15: {  	_ =	strace @!p0 $0x90000047  }
0x16: {  	s0 =	sadd.s32 @!p0 $0x100000, s2;
	[bflag:$0x2] =	sbarrier.arrive @!p0 $0xFFFF  }
0x17: {  	[sflag:s0] =	ssyncadd.tile.s32 @!p0 $0x1;
	_ =	shalt  }
.Lfunc_end2:
_tile_overlayer_lowered:
.L_overlay_start_2:
0x18: {  	(tag) =	ssettag $0x2  }
0x19: {  	s0 =	rddreg [dreg:$0x0];
	s2 =	stileid.u32  }
0x1a: {  	s1 =	rddreg [dreg:$0x1];
	p0 =	sne.s32 s2, $0x0  }
0x1b: {  	s3 =	rddreg [dreg:$0x2];
	[bflag:$0x3] =	sbarrier.arrive $0xFFFF;
	s2 =	simm.s32 @!p0 $0x1C01  }
0x1c: {  	[timem:s3], [sflag:s2] =	dma.local @!p0 [hbm:s0], s1  }
0x1d: {  	s0 =	simm.s32 @!p0 $0x1  }
0x1e: {  	_ =	swait.ge @!p0 [sflag:s0], s1  }
0x1f: {  	s1 =	ssub.s32 @!p0 $0x0, s1;
	[sflag:s0] =	ssyncset.done @!p0 $0x0  }
0x20: {  	[sflag:s0] =	ssyncadd.s32 @!p0 s1  }
0x21: {  	[bflag:$0x3] =	sbarrier.arrive $0xFFFF  }
0x22: {  	_ =	shalt  }

</sc_bundles>
